<compile_context>
chip_gen: v7x
topology: tpu7x:2x2x1
jax: 0.10.2.dev20260603
libtpu: 0.0.44.dev20260713+nightly
codegen_flags: <defaults>
</compile_context>

<pallas_src>
import jax
import jax.numpy as jnp
from jax.experimental import pallas as pl
from jax.experimental.pallas import tpu as pltpu

_B, _S, _C, _E = 64, 2048, 8, 18
_EPS = 1e-3
def _sign():
    return jnp.int32(-(2 ** 31))


def _imax():
    return jnp.int32(2 ** 31 - 1)
_RANKS = (511, 1023, 1535)
_HP = jax.lax.Precision.HIGHEST


def _flip(i):
    return jnp.where(i >= 0, i, i ^ jnp.int32(0x7FFFFFFF))


def _lane_group_min(x):
    for sh in (8, 16, 32, 64):
        x = jnp.minimum(x, jnp.roll(x, sh, axis=-1))
    return x


def _quant_body(hv_ref, inv_ref, minv_ref):
    x = hv_ref[...]
    gb = x.shape[0]
    bits = jax.lax.bitcast_convert_type(x, jnp.int32)
    m = _flip(bits) ^ _sign()

    l0 = jax.lax.broadcasted_iota(jnp.int32, (128, 128), 0)
    l1 = jax.lax.broadcasted_iota(jnp.int32, (128, 128), 1)
    mmat = ((l0 % 8) == (l1 % 8)).astype(jnp.float32)

    def group_count(mask):
        s1 = jnp.sum(mask, axis=1)
        return jax.lax.dot(s1, mmat, precision=_HP)

    p0 = jnp.zeros((gb, 128), jnp.int32)
    lc0 = jnp.zeros((gb, 128), jnp.float32)

    def bit_step(it, carry):
        b = 31 - it
        maskb = jnp.left_shift(jnp.int32(-1), b)
        bitv = jnp.left_shift(jnp.int32(1), b)
        masked = m & maskb
        new = []
        for (p, lc), k in zip(carry, _RANKS):
            eq = (masked == p[:, None, :]).astype(jnp.float32)
            t = group_count(eq)
            take = (lc + t) <= k
            new.append((jnp.where(take, p | bitv, p),
                        jnp.where(take, lc + t, lc)))
        return tuple(new)

    carry = tuple((p0, lc0) for _ in _RANKS)
    carry = jax.lax.fori_loop(0, 32, bit_step, carry, unroll=2)

    vals = []
    for (p, lc), k in zip(carry, _RANKS):
        eq = (m == p[:, None, :]).astype(jnp.float32)
        cnt_le = lc + group_count(eq)
        keyp = p ^ _sign()
        keys = m ^ _sign()
        big = jnp.where(keys > keyp[:, None, :], keys, _imax())
        mn = _lane_group_min(jnp.min(big, axis=1))
        nxt = jnp.where(cnt_le >= (k + 2), keyp, mn)
        vals.append((jax.lax.bitcast_convert_type(_flip(keyp), jnp.float32),
                     jax.lax.bitcast_convert_type(_flip(nxt), jnp.float32)))

    (a0, a1), (b0, b1), (c0, c1) = vals
    q25 = 0.25 * a0 + 0.75 * a1
    med = 0.5 * (b0 + b1)
    q75 = 0.75 * c0 + 0.25 * c1
    iqr = jnp.maximum(q75 - q25, jnp.float32(_EPS))
    inv = 1.0 / iqr
    inv_ref[...] = inv[:, :8]
    minv_ref[...] = (med * inv)[:, :8]


def _quantiles(hv):
    hv3 = hv.reshape(_B, 128, 128)
    gb = 16
    return pl.pallas_call(
        _quant_body,
        grid=(_B // gb,),
        in_specs=[pl.BlockSpec((gb, 128, 128), lambda i: (i, 0, 0))],
        out_specs=[pl.BlockSpec((gb, 8), lambda i: (i, 0)),
                   pl.BlockSpec((gb, 8), lambda i: (i, 0))],
        out_shape=[jax.ShapeDtypeStruct((_B, 8), jnp.float32),
                   jax.ShapeDtypeStruct((_B, 8), jnp.float32)],
    )(hv3)


_T = 512


def _embed_body(hv_ref, tf_ref, inv_ref, minv_ref, w_ref, bias_ref, out_ref):
    hv = hv_ref[0]
    tf = tf_ref[0]
    inv = inv_ref[0]
    minv = minv_ref[0]
    x = jnp.concatenate([hv * inv - minv, tf], axis=1)
    out_ref[0] = (jax.lax.dot(x, w_ref[...],
                              preferred_element_type=jnp.float32)
                  + bias_ref[...])


def kernel(history_values, time_features, W_proj, b_proj, W_expand, b_expand):
    inv, minv = _quantiles(history_values)

    w36 = jnp.concatenate([W_expand, jnp.zeros((_E,), jnp.float32)])
    amat = jnp.kron(jnp.eye(_C, dtype=jnp.float32), w36[None, :])
    bmat = jnp.tile(jnp.concatenate(
        [jnp.zeros((_C, _E), jnp.float32), W_proj], axis=1), (1, _C))
    wcomb = jnp.concatenate([amat, bmat], axis=0)
    bias = jnp.tile(jnp.concatenate([b_expand, b_proj]), _C)[None, :]

    out = pl.pallas_call(
        _embed_body,
        grid=(_B, _S // _T),
        in_specs=[
            pl.BlockSpec((1, _T, _C), lambda b, s: (b, s, 0)),
            pl.BlockSpec((1, _T, _C), lambda b, s: (b, s, 0)),
            pl.BlockSpec((1, 1, _C), lambda b, s: (b, 0, 0)),
            pl.BlockSpec((1, 1, _C), lambda b, s: (b, 0, 0)),
            pl.BlockSpec((2 * _C, 2 * _E * _C), lambda b, s: (0, 0)),
            pl.BlockSpec((1, 2 * _E * _C), lambda b, s: (0, 0)),
        ],
        out_specs=pl.BlockSpec((1, _T, 2 * _E * _C), lambda b, s: (b, s, 0)),
        out_shape=jax.ShapeDtypeStruct((_B, _S, 2 * _E * _C), jnp.float32),
        compiler_params=pltpu.CompilerParams(
            dimension_semantics=("parallel", "parallel")),
    )(history_values, time_features, inv.reshape(_B, 1, _C),
      minv.reshape(_B, 1, _C), wcomb, bias)
    return out.reshape(_B, _S, _C, 2 * _E)

# --- scband reference (transcript-rebuilt; emitter-appended) ---
"""Pipeline reference for scband-base-model-63307817943183 (READ-ONLY COPY).

The authoritative reference and input builder live on the scoring server;
editing this copy changes nothing except your own understanding.
"""

import jax, jax.numpy as jnp
import numpy as np

EMBED_SIZE = 18  # pos_year(4) + pos_month(4) + pos_day(6) + pos_dow(4)
EPSILON = 1e-3


def setup_inputs(seed: int = 0) -> dict:
    key = jax.random.key(seed)
    k1, k2, k3, k4, k5, k6 = jax.random.split(key, 6)
    B, S, C, F = 64, 2048, 8, 8
    history_values = jax.random.normal(k1, (B, S, C), dtype=jnp.float32)
    time_features = jax.random.uniform(k2, (B, S, F), dtype=jnp.float32)
    # learned params: time_feature_projection Linear(F, EMBED_SIZE), expand_values Linear(1, EMBED_SIZE)
    W_proj = jax.random.normal(k3, (F, EMBED_SIZE), dtype=jnp.float32) * (1.0 / np.sqrt(F))
    b_proj = jax.random.normal(k4, (EMBED_SIZE,), dtype=jnp.float32) * 0.01
    W_expand = jax.random.normal(k5, (EMBED_SIZE,), dtype=jnp.float32)  # Linear(1,E) weight flattened
    b_expand = jax.random.normal(k6, (EMBED_SIZE,), dtype=jnp.float32) * 0.01
    return {"history_values": history_values, "time_features": time_features,
            "W_proj": W_proj, "b_proj": b_proj, "W_expand": W_expand, "b_expand": b_expand}


def reference(history_values, time_features, W_proj, b_proj, W_expand, b_expand):
    # CustomScalingMultivariate 'custom_robust': per-(series, channel) median / IQR over time axis
    q25 = jnp.quantile(history_values, 0.25, axis=1, keepdims=True)
    median = jnp.quantile(history_values, 0.5, axis=1, keepdims=True)
    q75 = jnp.quantile(history_values, 0.75, axis=1, keepdims=True)
    iqr = jnp.maximum(q75 - q25, EPSILON)
    history_scaled = (history_values - median) / iqr  # [B, S, C]

    B, S, C = history_values.shape
    # get_positional_embeddings (use_gluonts_features=True path): linear projection of time features
    tf_flat = time_features.reshape(B * S, -1)
    pos_embedding = tf_flat @ W_proj + b_proj
    pos_embedding = pos_embedding.reshape(B, S, EMBED_SIZE).astype(jnp.float32)
    pos_embedding = jnp.broadcast_to(pos_embedding[:, :, None, :], (B, S, C, EMBED_SIZE))

    # expand_values: Linear(1, embed_size) applied to scaled history values
    value_embedding = history_scaled[..., None] * W_expand + b_expand  # [B, S, C, E]

    # concat_embed along last dim
    embedded = jnp.concatenate([value_embedding, pos_embedding], axis=-1)  # [B, S, C, 2E]
    return embedded

if __name__ == "__main__":
    import jax
    _d = setup_inputs()
    print(jax.jit(kernel)(*tuple(_d.values())))

</pallas_src>

<mosaic_0001>
module attributes {stable_mosaic.version = 14 : i64} {
  func.func @_quant_body(%arg0: i32, %arg1: memref<16x128x128xf32, #tpu.memory_space<vmem>>, %arg2: memref<16x8xf32, #tpu.memory_space<vmem>>, %arg3: memref<16x8xf32, #tpu.memory_space<vmem>>) attributes {dimension_semantics = [#tpu.dimension_semantics<arbitrary>], iteration_bounds = array<i64: 4>, scalar_prefetch = 0 : i64, scratch_operands = 0 : i64, tpu.core_type = #tpu.core_type<tc>, window_params = [{transform_indices = @transform_0, window_bounds = array<i64: 16, 128, 128>}, {transform_indices = @transform_1, window_bounds = array<i64: 16, 8>}, {transform_indices = @transform_2, window_bounds = array<i64: 16, 8>}]} {
    %get3A = arith.constant 0 : index
    %get3A_0 = arith.constant 0 : index
    %get3A_1 = arith.constant 0 : index
    %get3A_2 = vector.load %arg1[%get3A, %get3A_0, %get3A_1] : memref<16x128x128xf32, #tpu.memory_space<vmem>>, vector<16x128x128xf32>
    %bitcast_convert_type3A = tpu.bitcast %get3A_2 : vector<16x128x128xf32> -> vector<16x128x128xi32>
    %ge3A = arith.constant 0 : i32
    %ge3A_3 = vector.broadcast %ge3A : i32 to vector<16x128x128xi32>
    %ge3A_4 = arith.cmpi sge, %bitcast_convert_type3A, %ge3A_3 : vector<16x128x128xi32>
    %xor3A = arith.constant 2147483647 : i32
    %xor3A_5 = vector.broadcast %xor3A : i32 to vector<16x128x128xi32>
    %xor3A_6 = arith.xori %bitcast_convert_type3A, %xor3A_5 : vector<16x128x128xi32>
    %select_n3A = arith.select %ge3A_4, %bitcast_convert_type3A, %xor3A_6 : vector<16x128x128xi1>, vector<16x128x128xi32>
    %xor3A_7 = arith.constant -2147483648 : i32
    %xor3A_8 = vector.broadcast %xor3A_7 : i32 to vector<16x128x128xi32>
    %xor3A_9 = arith.xori %select_n3A, %xor3A_8 : vector<16x128x128xi32>
    %iota3A = tpu.iota {dimensions = array<i32: 0>} : vector<128x128xi32>
    %iota3A_10 = tpu.iota {dimensions = array<i32: 1>} : vector<128x128xi32>
    %jit3A = arith.constant 8 : i32
    %eq3A = arith.constant 0 : i32
    %eq3A_11 = arith.cmpi eq, %jit3A, %eq3A : i32
    %jit3A_12 = arith.constant 1 : i32
    %select_n3A_13 = arith.select %eq3A_11, %jit3A_12, %jit3A : i32
    %rem3A = vector.broadcast %select_n3A_13 : i32 to vector<128x128xi32>
    %rem3A_14 = arith.remsi %iota3A, %rem3A : vector<128x128xi32>
    %ne3A = arith.constant 0 : i32
    %ne3A_15 = vector.broadcast %ne3A : i32 to vector<128x128xi32>
    %ne3A_16 = arith.cmpi ne, %rem3A_14, %ne3A_15 : vector<128x128xi32>
    %lt3A = arith.constant 0 : i32
    %lt3A_17 = vector.broadcast %lt3A : i32 to vector<128x128xi32>
    %lt3A_18 = arith.cmpi slt, %rem3A_14, %lt3A_17 : vector<128x128xi32>
    %lt3A_19 = arith.constant 0 : i32
    %lt3A_20 = arith.cmpi slt, %select_n3A_13, %lt3A_19 : i32
    %ne3A_21 = vector.broadcast %lt3A_20 : i1 to vector<128x128xi1>
    %ne3A_22 = vector.broadcast %ne3A_21 : vector<128x128xi1> to vector<128x128xi1>
    %ne3A_23 = arith.xori %lt3A_18, %ne3A_22 : vector<128x128xi1>
    %and3A = arith.andi %ne3A_23, %ne3A_16 : vector<128x128xi1>
    %add3A = vector.broadcast %select_n3A_13 : i32 to vector<128x128xi32>
    %add3A_24 = arith.addi %rem3A_14, %add3A : vector<128x128xi32>
    %select_n3A_25 = arith.select %and3A, %add3A_24, %rem3A_14 : vector<128x128xi1>, vector<128x128xi32>
    %jit3A_26 = arith.constant 8 : i32
    %eq3A_27 = arith.constant 0 : i32
    %eq3A_28 = arith.cmpi eq, %jit3A_26, %eq3A_27 : i32
    %jit3A_29 = arith.constant 1 : i32
    %select_n3A_30 = arith.select %eq3A_28, %jit3A_29, %jit3A_26 : i32
    %rem3A_31 = vector.broadcast %select_n3A_30 : i32 to vector<128x128xi32>
    %rem3A_32 = arith.remsi %iota3A_10, %rem3A_31 : vector<128x128xi32>
    %ne3A_33 = arith.constant 0 : i32
    %ne3A_34 = vector.broadcast %ne3A_33 : i32 to vector<128x128xi32>
    %ne3A_35 = arith.cmpi ne, %rem3A_32, %ne3A_34 : vector<128x128xi32>
    %lt3A_36 = arith.constant 0 : i32
    %lt3A_37 = vector.broadcast %lt3A_36 : i32 to vector<128x128xi32>
    %lt3A_38 = arith.cmpi slt, %rem3A_32, %lt3A_37 : vector<128x128xi32>
    %lt3A_39 = arith.constant 0 : i32
    %lt3A_40 = arith.cmpi slt, %select_n3A_30, %lt3A_39 : i32
    %ne3A_41 = vector.broadcast %lt3A_40 : i1 to vector<128x128xi1>
    %ne3A_42 = vector.broadcast %ne3A_41 : vector<128x128xi1> to vector<128x128xi1>
    %ne3A_43 = arith.xori %lt3A_38, %ne3A_42 : vector<128x128xi1>
    %and3A_44 = arith.andi %ne3A_43, %ne3A_35 : vector<128x128xi1>
    %add3A_45 = vector.broadcast %select_n3A_30 : i32 to vector<128x128xi32>
    %add3A_46 = arith.addi %rem3A_32, %add3A_45 : vector<128x128xi32>
    %select_n3A_47 = arith.select %and3A_44, %add3A_46, %rem3A_32 : vector<128x128xi1>, vector<128x128xi32>
    %eq3A_48 = arith.cmpi eq, %select_n3A_25, %select_n3A_47 : vector<128x128xi32>
    %convert_element_type3A = arith.extui %eq3A_48 : vector<128x128xi1> to vector<128x128xi32>
    %convert_element_type3A_49 = arith.sitofp %convert_element_type3A : vector<128x128xi32> to vector<128x128xf32>
    %broadcast_in_dim3A = arith.constant 0 : i32
    %broadcast_in_dim3A_50 = vector.broadcast %broadcast_in_dim3A : i32 to vector<16x128xi32>
    %broadcast_in_dim3A_51 = arith.constant 0.000000e+00 : f32
    %broadcast_in_dim3A_52 = vector.broadcast %broadcast_in_dim3A_51 : f32 to vector<16x128xf32>
    %scan3A = arith.constant 0 : i32
    %scan3A_53 = arith.constant 32 : i32
    %scan3A_54 = arith.addi %scan3A, %scan3A_53 : i32
    %scan3A_55 = arith.constant 2 : i32
    %scan3A_56:6 = scf.for %scan3A_260 = %scan3A to %scan3A_54 step %scan3A_55 iter_args(%scan3A_261 = %broadcast_in_dim3A_50, %scan3A_262 = %broadcast_in_dim3A_52, %scan3A_263 = %broadcast_in_dim3A_50, %scan3A_264 = %broadcast_in_dim3A_52, %scan3A_265 = %broadcast_in_dim3A_50, %scan3A_266 = %broadcast_in_dim3A_52) -> (vector<16x128xi32>, vector<16x128xf32>, vector<16x128xi32>, vector<16x128xf32>, vector<16x128xi32>, vector<16x128xf32>)  : i32 {
      %sub3A_267 = arith.constant 31 : i32
      %sub3A_268 = arith.subi %sub3A_267, %scan3A_260 : i32
      %shift_left3A = arith.constant -1 : i32
      %shift_left3A_269 = arith.shli %shift_left3A, %sub3A_268 : i32
      %shift_left3A_270 = arith.constant 1 : i32
      %shift_left3A_271 = arith.shli %shift_left3A_270, %sub3A_268 : i32
      %and3A_272 = vector.broadcast %shift_left3A_269 : i32 to vector<16x128x128xi32>
      %and3A_273 = arith.andi %xor3A_9, %and3A_272 : vector<16x128x128xi32>
      %broadcast_in_dim3A_274 = vector.shape_cast %scan3A_261 : vector<16x128xi32> to vector<16x1x128xi32>
      %eq3A_275 = vector.broadcast %broadcast_in_dim3A_274 : vector<16x1x128xi32> to vector<16x128x128xi32>
      %eq3A_276 = arith.cmpi eq, %and3A_273, %eq3A_275 : vector<16x128x128xi32>
      %convert_element_type3A_277 = arith.extui %eq3A_276 : vector<16x128x128xi1> to vector<16x128x128xi32>
      %convert_element_type3A_278 = arith.sitofp %convert_element_type3A_277 : vector<16x128x128xi32> to vector<16x128x128xf32>
      %reduce_sum3A_279 = arith.constant dense<0.000000e+00> : vector<16x128xf32>
      %reduce_sum3A_280 = vector.multi_reduction <add>, %convert_element_type3A_278, %reduce_sum3A_279 [1] : vector<16x128x128xf32> to vector<16x128xf32>
      %dot_general3A_281 = arith.constant dense<0.000000e+00> : vector<16x128xf32>
      %dot_general3A_282 = tpu.matmul %reduce_sum3A_280, %convert_element_type3A_49, %dot_general3A_281 {dimension_numbers = #tpu.dot_dimension_numbers<[1], [0], [0], [1], [0, 0, 1, 1], [], []>, precision = #tpu.contract_precision<fp32>, transpose_lhs_hint = false} : vector<16x128xf32>, vector<128x128xf32>, vector<16x128xf32> -> vector<16x128xf32>
      %add3A_283 = arith.addf %scan3A_262, %dot_general3A_282 : vector<16x128xf32>
      %le3A = arith.constant 5.110000e+02 : f32
      %le3A_284 = vector.broadcast %le3A : f32 to vector<16x128xf32>
      %le3A_285 = arith.cmpf ole, %add3A_283, %le3A_284 : vector<16x128xf32>
      %or3A = vector.broadcast %shift_left3A_271 : i32 to vector<16x128xi32>
      %or3A_286 = arith.ori %scan3A_261, %or3A : vector<16x128xi32>
      %select_n3A_287 = arith.select %le3A_285, %or3A_286, %scan3A_261 : vector<16x128xi1>, vector<16x128xi32>
      %add3A_288 = arith.addf %scan3A_262, %dot_general3A_282 : vector<16x128xf32>
      %select_n3A_289 = arith.select %le3A_285, %add3A_288, %scan3A_262 : vector<16x128xi1>, vector<16x128xf32>
      %broadcast_in_dim3A_290 = vector.shape_cast %scan3A_263 : vector<16x128xi32> to vector<16x1x128xi32>
      %eq3A_291 = vector.broadcast %broadcast_in_dim3A_290 : vector<16x1x128xi32> to vector<16x128x128xi32>
      %eq3A_292 = arith.cmpi eq, %and3A_273, %eq3A_291 : vector<16x128x128xi32>
      %convert_element_type3A_293 = arith.extui %eq3A_292 : vector<16x128x128xi1> to vector<16x128x128xi32>
      %convert_element_type3A_294 = arith.sitofp %convert_element_type3A_293 : vector<16x128x128xi32> to vector<16x128x128xf32>
      %reduce_sum3A_295 = arith.constant dense<0.000000e+00> : vector<16x128xf32>
      %reduce_sum3A_296 = vector.multi_reduction <add>, %convert_element_type3A_294, %reduce_sum3A_295 [1] : vector<16x128x128xf32> to vector<16x128xf32>
      %dot_general3A_297 = arith.constant dense<0.000000e+00> : vector<16x128xf32>
      %dot_general3A_298 = tpu.matmul %reduce_sum3A_296, %convert_element_type3A_49, %dot_general3A_297 {dimension_numbers = #tpu.dot_dimension_numbers<[1], [0], [0], [1], [0, 0, 1, 1], [], []>, precision = #tpu.contract_precision<fp32>, transpose_lhs_hint = false} : vector<16x128xf32>, vector<128x128xf32>, vector<16x128xf32> -> vector<16x128xf32>
      %add3A_299 = arith.addf %scan3A_264, %dot_general3A_298 : vector<16x128xf32>
      %le3A_300 = arith.constant 1.023000e+03 : f32
      %le3A_301 = vector.broadcast %le3A_300 : f32 to vector<16x128xf32>
      %le3A_302 = arith.cmpf ole, %add3A_299, %le3A_301 : vector<16x128xf32>
      %or3A_303 = vector.broadcast %shift_left3A_271 : i32 to vector<16x128xi32>
      %or3A_304 = arith.ori %scan3A_263, %or3A_303 : vector<16x128xi32>
      %select_n3A_305 = arith.select %le3A_302, %or3A_304, %scan3A_263 : vector<16x128xi1>, vector<16x128xi32>
      %add3A_306 = arith.addf %scan3A_264, %dot_general3A_298 : vector<16x128xf32>
      %select_n3A_307 = arith.select %le3A_302, %add3A_306, %scan3A_264 : vector<16x128xi1>, vector<16x128xf32>
      %broadcast_in_dim3A_308 = vector.shape_cast %scan3A_265 : vector<16x128xi32> to vector<16x1x128xi32>
      %eq3A_309 = vector.broadcast %broadcast_in_dim3A_308 : vector<16x1x128xi32> to vector<16x128x128xi32>
      %eq3A_310 = arith.cmpi eq, %and3A_273, %eq3A_309 : vector<16x128x128xi32>
      %convert_element_type3A_311 = arith.extui %eq3A_310 : vector<16x128x128xi1> to vector<16x128x128xi32>
      %convert_element_type3A_312 = arith.sitofp %convert_element_type3A_311 : vector<16x128x128xi32> to vector<16x128x128xf32>
      %reduce_sum3A_313 = arith.constant dense<0.000000e+00> : vector<16x128xf32>
      %reduce_sum3A_314 = vector.multi_reduction <add>, %convert_element_type3A_312, %reduce_sum3A_313 [1] : vector<16x128x128xf32> to vector<16x128xf32>
      %dot_general3A_315 = arith.constant dense<0.000000e+00> : vector<16x128xf32>
      %dot_general3A_316 = tpu.matmul %reduce_sum3A_314, %convert_element_type3A_49, %dot_general3A_315 {dimension_numbers = #tpu.dot_dimension_numbers<[1], [0], [0], [1], [0, 0, 1, 1], [], []>, precision = #tpu.contract_precision<fp32>, transpose_lhs_hint = false} : vector<16x128xf32>, vector<128x128xf32>, vector<16x128xf32> -> vector<16x128xf32>
      %add3A_317 = arith.addf %scan3A_266, %dot_general3A_316 : vector<16x128xf32>
      %le3A_318 = arith.constant 1.535000e+03 : f32
      %le3A_319 = vector.broadcast %le3A_318 : f32 to vector<16x128xf32>
      %le3A_320 = arith.cmpf ole, %add3A_317, %le3A_319 : vector<16x128xf32>
      %or3A_321 = vector.broadcast %shift_left3A_271 : i32 to vector<16x128xi32>
      %or3A_322 = arith.ori %scan3A_265, %or3A_321 : vector<16x128xi32>
      %select_n3A_323 = arith.select %le3A_320, %or3A_322, %scan3A_265 : vector<16x128xi1>, vector<16x128xi32>
      %add3A_324 = arith.addf %scan3A_266, %dot_general3A_316 : vector<16x128xf32>
      %select_n3A_325 = arith.select %le3A_320, %add3A_324, %scan3A_266 : vector<16x128xi1>, vector<16x128xf32>
      %scan3A_326 = arith.constant 1 : i32
      %scan3A_327 = arith.addi %scan3A_260, %scan3A_326 : i32
      %sub3A_328 = arith.constant 31 : i32
      %sub3A_329 = arith.subi %sub3A_328, %scan3A_327 : i32
      %shift_left3A_330 = arith.constant -1 : i32
      %shift_left3A_331 = arith.shli %shift_left3A_330, %sub3A_329 : i32
      %shift_left3A_332 = arith.constant 1 : i32
      %shift_left3A_333 = arith.shli %shift_left3A_332, %sub3A_329 : i32
      %and3A_334 = vector.broadcast %shift_left3A_331 : i32 to vector<16x128x128xi32>
      %and3A_335 = arith.andi %xor3A_9, %and3A_334 : vector<16x128x128xi32>
      %broadcast_in_dim3A_336 = vector.shape_cast %select_n3A_287 : vector<16x128xi32> to vector<16x1x128xi32>
      %eq3A_337 = vector.broadcast %broadcast_in_dim3A_336 : vector<16x1x128xi32> to vector<16x128x128xi32>
      %eq3A_338 = arith.cmpi eq, %and3A_335, %eq3A_337 : vector<16x128x128xi32>
      %convert_element_type3A_339 = arith.extui %eq3A_338 : vector<16x128x128xi1> to vector<16x128x128xi32>
      %convert_element_type3A_340 = arith.sitofp %convert_element_type3A_339 : vector<16x128x128xi32> to vector<16x128x128xf32>
      %reduce_sum3A_341 = arith.constant dense<0.000000e+00> : vector<16x128xf32>
      %reduce_sum3A_342 = vector.multi_reduction <add>, %convert_element_type3A_340, %reduce_sum3A_341 [1] : vector<16x128x128xf32> to vector<16x128xf32>
      %dot_general3A_343 = arith.constant dense<0.000000e+00> : vector<16x128xf32>
      %dot_general3A_344 = tpu.matmul %reduce_sum3A_342, %convert_element_type3A_49, %dot_general3A_343 {dimension_numbers = #tpu.dot_dimension_numbers<[1], [0], [0], [1], [0, 0, 1, 1], [], []>, precision = #tpu.contract_precision<fp32>, transpose_lhs_hint = false} : vector<16x128xf32>, vector<128x128xf32>, vector<16x128xf32> -> vector<16x128xf32>
      %add3A_345 = arith.addf %select_n3A_289, %dot_general3A_344 : vector<16x128xf32>
      %le3A_346 = arith.constant 5.110000e+02 : f32
      %le3A_347 = vector.broadcast %le3A_346 : f32 to vector<16x128xf32>
      %le3A_348 = arith.cmpf ole, %add3A_345, %le3A_347 : vector<16x128xf32>
      %or3A_349 = vector.broadcast %shift_left3A_333 : i32 to vector<16x128xi32>
      %or3A_350 = arith.ori %select_n3A_287, %or3A_349 : vector<16x128xi32>
      %select_n3A_351 = arith.select %le3A_348, %or3A_350, %select_n3A_287 : vector<16x128xi1>, vector<16x128xi32>
      %add3A_352 = arith.addf %select_n3A_289, %dot_general3A_344 : vector<16x128xf32>
      %select_n3A_353 = arith.select %le3A_348, %add3A_352, %select_n3A_289 : vector<16x128xi1>, vector<16x128xf32>
      %broadcast_in_dim3A_354 = vector.shape_cast %select_n3A_305 : vector<16x128xi32> to vector<16x1x128xi32>
      %eq3A_355 = vector.broadcast %broadcast_in_dim3A_354 : vector<16x1x128xi32> to vector<16x128x128xi32>
      %eq3A_356 = arith.cmpi eq, %and3A_335, %eq3A_355 : vector<16x128x128xi32>
      %convert_element_type3A_357 = arith.extui %eq3A_356 : vector<16x128x128xi1> to vector<16x128x128xi32>
      %convert_element_type3A_358 = arith.sitofp %convert_element_type3A_357 : vector<16x128x128xi32> to vector<16x128x128xf32>
      %reduce_sum3A_359 = arith.constant dense<0.000000e+00> : vector<16x128xf32>
      %reduce_sum3A_360 = vector.multi_reduction <add>, %convert_element_type3A_358, %reduce_sum3A_359 [1] : vector<16x128x128xf32> to vector<16x128xf32>
      %dot_general3A_361 = arith.constant dense<0.000000e+00> : vector<16x128xf32>
      %dot_general3A_362 = tpu.matmul %reduce_sum3A_360, %convert_element_type3A_49, %dot_general3A_361 {dimension_numbers = #tpu.dot_dimension_numbers<[1], [0], [0], [1], [0, 0, 1, 1], [], []>, precision = #tpu.contract_precision<fp32>, transpose_lhs_hint = false} : vector<16x128xf32>, vector<128x128xf32>, vector<16x128xf32> -> vector<16x128xf32>
      %add3A_363 = arith.addf %select_n3A_307, %dot_general3A_362 : vector<16x128xf32>
      %le3A_364 = arith.constant 1.023000e+03 : f32
      %le3A_365 = vector.broadcast %le3A_364 : f32 to vector<16x128xf32>
      %le3A_366 = arith.cmpf ole, %add3A_363, %le3A_365 : vector<16x128xf32>
      %or3A_367 = vector.broadcast %shift_left3A_333 : i32 to vector<16x128xi32>
      %or3A_368 = arith.ori %select_n3A_305, %or3A_367 : vector<16x128xi32>
      %select_n3A_369 = arith.select %le3A_366, %or3A_368, %select_n3A_305 : vector<16x128xi1>, vector<16x128xi32>
      %add3A_370 = arith.addf %select_n3A_307, %dot_general3A_362 : vector<16x128xf32>
      %select_n3A_371 = arith.select %le3A_366, %add3A_370, %select_n3A_307 : vector<16x128xi1>, vector<16x128xf32>
      %broadcast_in_dim3A_372 = vector.shape_cast %select_n3A_323 : vector<16x128xi32> to vector<16x1x128xi32>
      %eq3A_373 = vector.broadcast %broadcast_in_dim3A_372 : vector<16x1x128xi32> to vector<16x128x128xi32>
      %eq3A_374 = arith.cmpi eq, %and3A_335, %eq3A_373 : vector<16x128x128xi32>
      %convert_element_type3A_375 = arith.extui %eq3A_374 : vector<16x128x128xi1> to vector<16x128x128xi32>
      %convert_element_type3A_376 = arith.sitofp %convert_element_type3A_375 : vector<16x128x128xi32> to vector<16x128x128xf32>
      %reduce_sum3A_377 = arith.constant dense<0.000000e+00> : vector<16x128xf32>
      %reduce_sum3A_378 = vector.multi_reduction <add>, %convert_element_type3A_376, %reduce_sum3A_377 [1] : vector<16x128x128xf32> to vector<16x128xf32>
      %dot_general3A_379 = arith.constant dense<0.000000e+00> : vector<16x128xf32>
      %dot_general3A_380 = tpu.matmul %reduce_sum3A_378, %convert_element_type3A_49, %dot_general3A_379 {dimension_numbers = #tpu.dot_dimension_numbers<[1], [0], [0], [1], [0, 0, 1, 1], [], []>, precision = #tpu.contract_precision<fp32>, transpose_lhs_hint = false} : vector<16x128xf32>, vector<128x128xf32>, vector<16x128xf32> -> vector<16x128xf32>
      %add3A_381 = arith.addf %select_n3A_325, %dot_general3A_380 : vector<16x128xf32>
      %le3A_382 = arith.constant 1.535000e+03 : f32
      %le3A_383 = vector.broadcast %le3A_382 : f32 to vector<16x128xf32>
      %le3A_384 = arith.cmpf ole, %add3A_381, %le3A_383 : vector<16x128xf32>
      %or3A_385 = vector.broadcast %shift_left3A_333 : i32 to vector<16x128xi32>
      %or3A_386 = arith.ori %select_n3A_323, %or3A_385 : vector<16x128xi32>
      %select_n3A_387 = arith.select %le3A_384, %or3A_386, %select_n3A_323 : vector<16x128xi1>, vector<16x128xi32>
      %add3A_388 = arith.addf %select_n3A_325, %dot_general3A_380 : vector<16x128xf32>
      %select_n3A_389 = arith.select %le3A_384, %add3A_388, %select_n3A_325 : vector<16x128xi1>, vector<16x128xf32>
      scf.yield %select_n3A_351, %select_n3A_353, %select_n3A_369, %select_n3A_371, %select_n3A_387, %select_n3A_389 : vector<16x128xi32>, vector<16x128xf32>, vector<16x128xi32>, vector<16x128xf32>, vector<16x128xi32>, vector<16x128xf32>
    }
    %scan3A_57 = arith.constant 32 : i32
    %broadcast_in_dim3A_58 = vector.shape_cast %scan3A_56#0 : vector<16x128xi32> to vector<16x1x128xi32>
    %eq3A_59 = vector.broadcast %broadcast_in_dim3A_58 : vector<16x1x128xi32> to vector<16x128x128xi32>
    %eq3A_60 = arith.cmpi eq, %xor3A_9, %eq3A_59 : vector<16x128x128xi32>
    %convert_element_type3A_61 = arith.extui %eq3A_60 : vector<16x128x128xi1> to vector<16x128x128xi32>
    %convert_element_type3A_62 = arith.sitofp %convert_element_type3A_61 : vector<16x128x128xi32> to vector<16x128x128xf32>
    %reduce_sum3A = arith.constant dense<0.000000e+00> : vector<16x128xf32>
    %reduce_sum3A_63 = vector.multi_reduction <add>, %convert_element_type3A_62, %reduce_sum3A [1] : vector<16x128x128xf32> to vector<16x128xf32>
    %dot_general3A = arith.constant dense<0.000000e+00> : vector<16x128xf32>
    %dot_general3A_64 = tpu.matmul %reduce_sum3A_63, %convert_element_type3A_49, %dot_general3A {dimension_numbers = #tpu.dot_dimension_numbers<[1], [0], [0], [1], [0, 0, 1, 1], [], []>, precision = #tpu.contract_precision<fp32>, transpose_lhs_hint = false} : vector<16x128xf32>, vector<128x128xf32>, vector<16x128xf32> -> vector<16x128xf32>
    %add3A_65 = arith.addf %scan3A_56#1, %dot_general3A_64 : vector<16x128xf32>
    %xor3A_66 = arith.constant -2147483648 : i32
    %xor3A_67 = vector.broadcast %xor3A_66 : i32 to vector<16x128xi32>
    %xor3A_68 = arith.xori %scan3A_56#0, %xor3A_67 : vector<16x128xi32>
    %xor3A_69 = arith.constant -2147483648 : i32
    %xor3A_70 = vector.broadcast %xor3A_69 : i32 to vector<16x128x128xi32>
    %xor3A_71 = arith.xori %xor3A_9, %xor3A_70 : vector<16x128x128xi32>
    %broadcast_in_dim3A_72 = vector.shape_cast %xor3A_68 : vector<16x128xi32> to vector<16x1x128xi32>
    %gt3A = vector.broadcast %broadcast_in_dim3A_72 : vector<16x1x128xi32> to vector<16x128x128xi32>
    %gt3A_73 = arith.cmpi sgt, %xor3A_71, %gt3A : vector<16x128x128xi32>
    %jit3A_74 = arith.constant 2147483647 : i32
    %broadcast_in_dim3A_75 = vector.broadcast %jit3A_74 : i32 to vector<16x128x128xi32>
    %select_n3A_76 = arith.select %gt3A_73, %xor3A_71, %broadcast_in_dim3A_75 : vector<16x128x128xi1>, vector<16x128x128xi32>
    %reduce_min3A = arith.constant dense<2147483647> : vector<16x128xi32>
    %reduce_min3A_77 = vector.multi_reduction <minsi>, %select_n3A_76, %reduce_min3A [1] : vector<16x128x128xi32> to vector<16x128xi32>
    %slice3A = vector.extract_strided_slice %reduce_min3A_77 {offsets = [0, 120], sizes = [16, 8], strides = [1, 1]} : vector<16x128xi32> to vector<16x8xi32>
    %slice3A_78 = vector.extract_strided_slice %reduce_min3A_77 {offsets = [0, 0], sizes = [16, 120], strides = [1, 1]} : vector<16x128xi32> to vector<16x120xi32>
    %concatenate3A = tpu.concatenate %slice3A, %slice3A_78 in 1 : vector<16x8xi32>, vector<16x120xi32> -> vector<16x128xi32>
    %min3A = arith.minsi %reduce_min3A_77, %concatenate3A : vector<16x128xi32>
    %slice3A_79 = vector.extract_strided_slice %min3A {offsets = [0, 112], sizes = [16, 16], strides = [1, 1]} : vector<16x128xi32> to vector<16x16xi32>
    %slice3A_80 = vector.extract_strided_slice %min3A {offsets = [0, 0], sizes = [16, 112], strides = [1, 1]} : vector<16x128xi32> to vector<16x112xi32>
    %concatenate3A_81 = tpu.concatenate %slice3A_79, %slice3A_80 in 1 : vector<16x16xi32>, vector<16x112xi32> -> vector<16x128xi32>
    %min3A_82 = arith.minsi %min3A, %concatenate3A_81 : vector<16x128xi32>
    %slice3A_83 = vector.extract_strided_slice %min3A_82 {offsets = [0, 96], sizes = [16, 32], strides = [1, 1]} : vector<16x128xi32> to vector<16x32xi32>
    %slice3A_84 = vector.extract_strided_slice %min3A_82 {offsets = [0, 0], sizes = [16, 96], strides = [1, 1]} : vector<16x128xi32> to vector<16x96xi32>
    %concatenate3A_85 = tpu.concatenate %slice3A_83, %slice3A_84 in 1 : vector<16x32xi32>, vector<16x96xi32> -> vector<16x128xi32>
    %min3A_86 = arith.minsi %min3A_82, %concatenate3A_85 : vector<16x128xi32>
    %slice3A_87 = vector.extract_strided_slice %min3A_86 {offsets = [0, 64], sizes = [16, 64], strides = [1, 1]} : vector<16x128xi32> to vector<16x64xi32>
    %slice3A_88 = vector.extract_strided_slice %min3A_86 {offsets = [0, 0], sizes = [16, 64], strides = [1, 1]} : vector<16x128xi32> to vector<16x64xi32>
    %concatenate3A_89 = tpu.concatenate %slice3A_87, %slice3A_88 in 1 : vector<16x64xi32>, vector<16x64xi32> -> vector<16x128xi32>
    %min3A_90 = arith.minsi %min3A_86, %concatenate3A_89 : vector<16x128xi32>
    %ge3A_91 = arith.constant 5.130000e+02 : f32
    %ge3A_92 = vector.broadcast %ge3A_91 : f32 to vector<16x128xf32>
    %ge3A_93 = arith.cmpf oge, %add3A_65, %ge3A_92 : vector<16x128xf32>
    %select_n3A_94 = arith.select %ge3A_93, %xor3A_68, %min3A_90 : vector<16x128xi1>, vector<16x128xi32>
    %ge3A_95 = arith.constant 0 : i32
    %ge3A_96 = vector.broadcast %ge3A_95 : i32 to vector<16x128xi32>
    %ge3A_97 = arith.cmpi sge, %xor3A_68, %ge3A_96 : vector<16x128xi32>
    %xor3A_98 = arith.constant 2147483647 : i32
    %xor3A_99 = vector.broadcast %xor3A_98 : i32 to vector<16x128xi32>
    %xor3A_100 = arith.xori %xor3A_68, %xor3A_99 : vector<16x128xi32>
    %select_n3A_101 = arith.select %ge3A_97, %xor3A_68, %xor3A_100 : vector<16x128xi1>, vector<16x128xi32>
    %bitcast_convert_type3A_102 = tpu.bitcast %select_n3A_101 : vector<16x128xi32> -> vector<16x128xf32>
    %ge3A_103 = arith.constant 0 : i32
    %ge3A_104 = vector.broadcast %ge3A_103 : i32 to vector<16x128xi32>
    %ge3A_105 = arith.cmpi sge, %select_n3A_94, %ge3A_104 : vector<16x128xi32>
    %xor3A_106 = arith.constant 2147483647 : i32
    %xor3A_107 = vector.broadcast %xor3A_106 : i32 to vector<16x128xi32>
    %xor3A_108 = arith.xori %select_n3A_94, %xor3A_107 : vector<16x128xi32>
    %select_n3A_109 = arith.select %ge3A_105, %select_n3A_94, %xor3A_108 : vector<16x128xi1>, vector<16x128xi32>
    %bitcast_convert_type3A_110 = tpu.bitcast %select_n3A_109 : vector<16x128xi32> -> vector<16x128xf32>
    %broadcast_in_dim3A_111 = vector.shape_cast %scan3A_56#2 : vector<16x128xi32> to vector<16x1x128xi32>
    %eq3A_112 = vector.broadcast %broadcast_in_dim3A_111 : vector<16x1x128xi32> to vector<16x128x128xi32>
    %eq3A_113 = arith.cmpi eq, %xor3A_9, %eq3A_112 : vector<16x128x128xi32>
    %convert_element_type3A_114 = arith.extui %eq3A_113 : vector<16x128x128xi1> to vector<16x128x128xi32>
    %convert_element_type3A_115 = arith.sitofp %convert_element_type3A_114 : vector<16x128x128xi32> to vector<16x128x128xf32>
    %reduce_sum3A_116 = arith.constant dense<0.000000e+00> : vector<16x128xf32>
    %reduce_sum3A_117 = vector.multi_reduction <add>, %convert_element_type3A_115, %reduce_sum3A_116 [1] : vector<16x128x128xf32> to vector<16x128xf32>
    %dot_general3A_118 = arith.constant dense<0.000000e+00> : vector<16x128xf32>
    %dot_general3A_119 = tpu.matmul %reduce_sum3A_117, %convert_element_type3A_49, %dot_general3A_118 {dimension_numbers = #tpu.dot_dimension_numbers<[1], [0], [0], [1], [0, 0, 1, 1], [], []>, precision = #tpu.contract_precision<fp32>, transpose_lhs_hint = false} : vector<16x128xf32>, vector<128x128xf32>, vector<16x128xf32> -> vector<16x128xf32>
    %add3A_120 = arith.addf %scan3A_56#3, %dot_general3A_119 : vector<16x128xf32>
    %xor3A_121 = arith.constant -2147483648 : i32
    %xor3A_122 = vector.broadcast %xor3A_121 : i32 to vector<16x128xi32>
    %xor3A_123 = arith.xori %scan3A_56#2, %xor3A_122 : vector<16x128xi32>
    %xor3A_124 = arith.constant -2147483648 : i32
    %xor3A_125 = vector.broadcast %xor3A_124 : i32 to vector<16x128x128xi32>
    %xor3A_126 = arith.xori %xor3A_9, %xor3A_125 : vector<16x128x128xi32>
    %broadcast_in_dim3A_127 = vector.shape_cast %xor3A_123 : vector<16x128xi32> to vector<16x1x128xi32>
    %gt3A_128 = vector.broadcast %broadcast_in_dim3A_127 : vector<16x1x128xi32> to vector<16x128x128xi32>
    %gt3A_129 = arith.cmpi sgt, %xor3A_126, %gt3A_128 : vector<16x128x128xi32>
    %jit3A_130 = arith.constant 2147483647 : i32
    %broadcast_in_dim3A_131 = vector.broadcast %jit3A_130 : i32 to vector<16x128x128xi32>
    %select_n3A_132 = arith.select %gt3A_129, %xor3A_126, %broadcast_in_dim3A_131 : vector<16x128x128xi1>, vector<16x128x128xi32>
    %reduce_min3A_133 = arith.constant dense<2147483647> : vector<16x128xi32>
    %reduce_min3A_134 = vector.multi_reduction <minsi>, %select_n3A_132, %reduce_min3A_133 [1] : vector<16x128x128xi32> to vector<16x128xi32>
    %slice3A_135 = vector.extract_strided_slice %reduce_min3A_134 {offsets = [0, 120], sizes = [16, 8], strides = [1, 1]} : vector<16x128xi32> to vector<16x8xi32>
    %slice3A_136 = vector.extract_strided_slice %reduce_min3A_134 {offsets = [0, 0], sizes = [16, 120], strides = [1, 1]} : vector<16x128xi32> to vector<16x120xi32>
    %concatenate3A_137 = tpu.concatenate %slice3A_135, %slice3A_136 in 1 : vector<16x8xi32>, vector<16x120xi32> -> vector<16x128xi32>
    %min3A_138 = arith.minsi %reduce_min3A_134, %concatenate3A_137 : vector<16x128xi32>
    %slice3A_139 = vector.extract_strided_slice %min3A_138 {offsets = [0, 112], sizes = [16, 16], strides = [1, 1]} : vector<16x128xi32> to vector<16x16xi32>
    %slice3A_140 = vector.extract_strided_slice %min3A_138 {offsets = [0, 0], sizes = [16, 112], strides = [1, 1]} : vector<16x128xi32> to vector<16x112xi32>
    %concatenate3A_141 = tpu.concatenate %slice3A_139, %slice3A_140 in 1 : vector<16x16xi32>, vector<16x112xi32> -> vector<16x128xi32>
    %min3A_142 = arith.minsi %min3A_138, %concatenate3A_141 : vector<16x128xi32>
    %slice3A_143 = vector.extract_strided_slice %min3A_142 {offsets = [0, 96], sizes = [16, 32], strides = [1, 1]} : vector<16x128xi32> to vector<16x32xi32>
    %slice3A_144 = vector.extract_strided_slice %min3A_142 {offsets = [0, 0], sizes = [16, 96], strides = [1, 1]} : vector<16x128xi32> to vector<16x96xi32>
    %concatenate3A_145 = tpu.concatenate %slice3A_143, %slice3A_144 in 1 : vector<16x32xi32>, vector<16x96xi32> -> vector<16x128xi32>
    %min3A_146 = arith.minsi %min3A_142, %concatenate3A_145 : vector<16x128xi32>
    %slice3A_147 = vector.extract_strided_slice %min3A_146 {offsets = [0, 64], sizes = [16, 64], strides = [1, 1]} : vector<16x128xi32> to vector<16x64xi32>
    %slice3A_148 = vector.extract_strided_slice %min3A_146 {offsets = [0, 0], sizes = [16, 64], strides = [1, 1]} : vector<16x128xi32> to vector<16x64xi32>
    %concatenate3A_149 = tpu.concatenate %slice3A_147, %slice3A_148 in 1 : vector<16x64xi32>, vector<16x64xi32> -> vector<16x128xi32>
    %min3A_150 = arith.minsi %min3A_146, %concatenate3A_149 : vector<16x128xi32>
    %ge3A_151 = arith.constant 1.025000e+03 : f32
    %ge3A_152 = vector.broadcast %ge3A_151 : f32 to vector<16x128xf32>
    %ge3A_153 = arith.cmpf oge, %add3A_120, %ge3A_152 : vector<16x128xf32>
    %select_n3A_154 = arith.select %ge3A_153, %xor3A_123, %min3A_150 : vector<16x128xi1>, vector<16x128xi32>
    %ge3A_155 = arith.constant 0 : i32
    %ge3A_156 = vector.broadcast %ge3A_155 : i32 to vector<16x128xi32>
    %ge3A_157 = arith.cmpi sge, %xor3A_123, %ge3A_156 : vector<16x128xi32>
    %xor3A_158 = arith.constant 2147483647 : i32
    %xor3A_159 = vector.broadcast %xor3A_158 : i32 to vector<16x128xi32>
    %xor3A_160 = arith.xori %xor3A_123, %xor3A_159 : vector<16x128xi32>
    %select_n3A_161 = arith.select %ge3A_157, %xor3A_123, %xor3A_160 : vector<16x128xi1>, vector<16x128xi32>
    %bitcast_convert_type3A_162 = tpu.bitcast %select_n3A_161 : vector<16x128xi32> -> vector<16x128xf32>
    %ge3A_163 = arith.constant 0 : i32
    %ge3A_164 = vector.broadcast %ge3A_163 : i32 to vector<16x128xi32>
    %ge3A_165 = arith.cmpi sge, %select_n3A_154, %ge3A_164 : vector<16x128xi32>
    %xor3A_166 = arith.constant 2147483647 : i32
    %xor3A_167 = vector.broadcast %xor3A_166 : i32 to vector<16x128xi32>
    %xor3A_168 = arith.xori %select_n3A_154, %xor3A_167 : vector<16x128xi32>
    %select_n3A_169 = arith.select %ge3A_165, %select_n3A_154, %xor3A_168 : vector<16x128xi1>, vector<16x128xi32>
    %bitcast_convert_type3A_170 = tpu.bitcast %select_n3A_169 : vector<16x128xi32> -> vector<16x128xf32>
    %broadcast_in_dim3A_171 = vector.shape_cast %scan3A_56#4 : vector<16x128xi32> to vector<16x1x128xi32>
    %eq3A_172 = vector.broadcast %broadcast_in_dim3A_171 : vector<16x1x128xi32> to vector<16x128x128xi32>
    %eq3A_173 = arith.cmpi eq, %xor3A_9, %eq3A_172 : vector<16x128x128xi32>
    %convert_element_type3A_174 = arith.extui %eq3A_173 : vector<16x128x128xi1> to vector<16x128x128xi32>
    %convert_element_type3A_175 = arith.sitofp %convert_element_type3A_174 : vector<16x128x128xi32> to vector<16x128x128xf32>
    %reduce_sum3A_176 = arith.constant dense<0.000000e+00> : vector<16x128xf32>
    %reduce_sum3A_177 = vector.multi_reduction <add>, %convert_element_type3A_175, %reduce_sum3A_176 [1] : vector<16x128x128xf32> to vector<16x128xf32>
    %dot_general3A_178 = arith.constant dense<0.000000e+00> : vector<16x128xf32>
    %dot_general3A_179 = tpu.matmul %reduce_sum3A_177, %convert_element_type3A_49, %dot_general3A_178 {dimension_numbers = #tpu.dot_dimension_numbers<[1], [0], [0], [1], [0, 0, 1, 1], [], []>, precision = #tpu.contract_precision<fp32>, transpose_lhs_hint = false} : vector<16x128xf32>, vector<128x128xf32>, vector<16x128xf32> -> vector<16x128xf32>
    %add3A_180 = arith.addf %scan3A_56#5, %dot_general3A_179 : vector<16x128xf32>
    %xor3A_181 = arith.constant -2147483648 : i32
    %xor3A_182 = vector.broadcast %xor3A_181 : i32 to vector<16x128xi32>
    %xor3A_183 = arith.xori %scan3A_56#4, %xor3A_182 : vector<16x128xi32>
    %xor3A_184 = arith.constant -2147483648 : i32
    %xor3A_185 = vector.broadcast %xor3A_184 : i32 to vector<16x128x128xi32>
    %xor3A_186 = arith.xori %xor3A_9, %xor3A_185 : vector<16x128x128xi32>
    %broadcast_in_dim3A_187 = vector.shape_cast %xor3A_183 : vector<16x128xi32> to vector<16x1x128xi32>
    %gt3A_188 = vector.broadcast %broadcast_in_dim3A_187 : vector<16x1x128xi32> to vector<16x128x128xi32>
    %gt3A_189 = arith.cmpi sgt, %xor3A_186, %gt3A_188 : vector<16x128x128xi32>
    %jit3A_190 = arith.constant 2147483647 : i32
    %broadcast_in_dim3A_191 = vector.broadcast %jit3A_190 : i32 to vector<16x128x128xi32>
    %select_n3A_192 = arith.select %gt3A_189, %xor3A_186, %broadcast_in_dim3A_191 : vector<16x128x128xi1>, vector<16x128x128xi32>
    %reduce_min3A_193 = arith.constant dense<2147483647> : vector<16x128xi32>
    %reduce_min3A_194 = vector.multi_reduction <minsi>, %select_n3A_192, %reduce_min3A_193 [1] : vector<16x128x128xi32> to vector<16x128xi32>
    %slice3A_195 = vector.extract_strided_slice %reduce_min3A_194 {offsets = [0, 120], sizes = [16, 8], strides = [1, 1]} : vector<16x128xi32> to vector<16x8xi32>
    %slice3A_196 = vector.extract_strided_slice %reduce_min3A_194 {offsets = [0, 0], sizes = [16, 120], strides = [1, 1]} : vector<16x128xi32> to vector<16x120xi32>
    %concatenate3A_197 = tpu.concatenate %slice3A_195, %slice3A_196 in 1 : vector<16x8xi32>, vector<16x120xi32> -> vector<16x128xi32>
    %min3A_198 = arith.minsi %reduce_min3A_194, %concatenate3A_197 : vector<16x128xi32>
    %slice3A_199 = vector.extract_strided_slice %min3A_198 {offsets = [0, 112], sizes = [16, 16], strides = [1, 1]} : vector<16x128xi32> to vector<16x16xi32>
    %slice3A_200 = vector.extract_strided_slice %min3A_198 {offsets = [0, 0], sizes = [16, 112], strides = [1, 1]} : vector<16x128xi32> to vector<16x112xi32>
    %concatenate3A_201 = tpu.concatenate %slice3A_199, %slice3A_200 in 1 : vector<16x16xi32>, vector<16x112xi32> -> vector<16x128xi32>
    %min3A_202 = arith.minsi %min3A_198, %concatenate3A_201 : vector<16x128xi32>
    %slice3A_203 = vector.extract_strided_slice %min3A_202 {offsets = [0, 96], sizes = [16, 32], strides = [1, 1]} : vector<16x128xi32> to vector<16x32xi32>
    %slice3A_204 = vector.extract_strided_slice %min3A_202 {offsets = [0, 0], sizes = [16, 96], strides = [1, 1]} : vector<16x128xi32> to vector<16x96xi32>
    %concatenate3A_205 = tpu.concatenate %slice3A_203, %slice3A_204 in 1 : vector<16x32xi32>, vector<16x96xi32> -> vector<16x128xi32>
    %min3A_206 = arith.minsi %min3A_202, %concatenate3A_205 : vector<16x128xi32>
    %slice3A_207 = vector.extract_strided_slice %min3A_206 {offsets = [0, 64], sizes = [16, 64], strides = [1, 1]} : vector<16x128xi32> to vector<16x64xi32>
    %slice3A_208 = vector.extract_strided_slice %min3A_206 {offsets = [0, 0], sizes = [16, 64], strides = [1, 1]} : vector<16x128xi32> to vector<16x64xi32>
    %concatenate3A_209 = tpu.concatenate %slice3A_207, %slice3A_208 in 1 : vector<16x64xi32>, vector<16x64xi32> -> vector<16x128xi32>
    %min3A_210 = arith.minsi %min3A_206, %concatenate3A_209 : vector<16x128xi32>
    %ge3A_211 = arith.constant 1.537000e+03 : f32
    %ge3A_212 = vector.broadcast %ge3A_211 : f32 to vector<16x128xf32>
    %ge3A_213 = arith.cmpf oge, %add3A_180, %ge3A_212 : vector<16x128xf32>
    %select_n3A_214 = arith.select %ge3A_213, %xor3A_183, %min3A_210 : vector<16x128xi1>, vector<16x128xi32>
    %ge3A_215 = arith.constant 0 : i32
    %ge3A_216 = vector.broadcast %ge3A_215 : i32 to vector<16x128xi32>
    %ge3A_217 = arith.cmpi sge, %xor3A_183, %ge3A_216 : vector<16x128xi32>
    %xor3A_218 = arith.constant 2147483647 : i32
    %xor3A_219 = vector.broadcast %xor3A_218 : i32 to vector<16x128xi32>
    %xor3A_220 = arith.xori %xor3A_183, %xor3A_219 : vector<16x128xi32>
    %select_n3A_221 = arith.select %ge3A_217, %xor3A_183, %xor3A_220 : vector<16x128xi1>, vector<16x128xi32>
    %bitcast_convert_type3A_222 = tpu.bitcast %select_n3A_221 : vector<16x128xi32> -> vector<16x128xf32>
    %ge3A_223 = arith.constant 0 : i32
    %ge3A_224 = vector.broadcast %ge3A_223 : i32 to vector<16x128xi32>
    %ge3A_225 = arith.cmpi sge, %select_n3A_214, %ge3A_224 : vector<16x128xi32>
    %xor3A_226 = arith.constant 2147483647 : i32
    %xor3A_227 = vector.broadcast %xor3A_226 : i32 to vector<16x128xi32>
    %xor3A_228 = arith.xori %select_n3A_214, %xor3A_227 : vector<16x128xi32>
    %select_n3A_229 = arith.select %ge3A_225, %select_n3A_214, %xor3A_228 : vector<16x128xi1>, vector<16x128xi32>
    %bitcast_convert_type3A_230 = tpu.bitcast %select_n3A_229 : vector<16x128xi32> -> vector<16x128xf32>
    %mul3A = arith.constant 2.500000e-01 : f32
    %mul3A_231 = vector.broadcast %mul3A : f32 to vector<16x128xf32>
    %mul3A_232 = arith.mulf %mul3A_231, %bitcast_convert_type3A_102 : vector<16x128xf32>
    %mul3A_233 = arith.constant 7.500000e-01 : f32
    %mul3A_234 = vector.broadcast %mul3A_233 : f32 to vector<16x128xf32>
    %mul3A_235 = arith.mulf %mul3A_234, %bitcast_convert_type3A_110 : vector<16x128xf32>
    %add3A_236 = arith.addf %mul3A_232, %mul3A_235 : vector<16x128xf32>
    %add3A_237 = arith.addf %bitcast_convert_type3A_162, %bitcast_convert_type3A_170 : vector<16x128xf32>
    %mul3A_238 = arith.constant 5.000000e-01 : f32
    %mul3A_239 = vector.broadcast %mul3A_238 : f32 to vector<16x128xf32>
    %mul3A_240 = arith.mulf %mul3A_239, %add3A_237 : vector<16x128xf32>
    %mul3A_241 = arith.constant 7.500000e-01 : f32
    %mul3A_242 = vector.broadcast %mul3A_241 : f32 to vector<16x128xf32>
    %mul3A_243 = arith.mulf %mul3A_242, %bitcast_convert_type3A_222 : vector<16x128xf32>
    %mul3A_244 = arith.constant 2.500000e-01 : f32
    %mul3A_245 = vector.broadcast %mul3A_244 : f32 to vector<16x128xf32>
    %mul3A_246 = arith.mulf %mul3A_245, %bitcast_convert_type3A_230 : vector<16x128xf32>
    %add3A_247 = arith.addf %mul3A_243, %mul3A_246 : vector<16x128xf32>
    %sub3A = arith.subf %add3A_247, %add3A_236 : vector<16x128xf32>
    %max3A = arith.constant 1.000000e-03 : f32
    %max3A_248 = vector.broadcast %max3A : f32 to vector<16x128xf32>
    %max3A_249 = arith.maximumf %sub3A, %max3A_248 : vector<16x128xf32>
    %div3A = arith.constant 1.000000e+00 : f32
    %div3A_250 = vector.broadcast %div3A : f32 to vector<16x128xf32>
    %div3A_251 = arith.divf %div3A_250, %max3A_249 : vector<16x128xf32>
    %slice3A_252 = vector.extract_strided_slice %div3A_251 {offsets = [0, 0], sizes = [16, 8], strides = [1, 1]} : vector<16x128xf32> to vector<16x8xf32>
    %swap3A = arith.constant 0 : index
    %swap3A_253 = arith.constant 0 : index
    %swap3A_254 = vector.load %arg2[%swap3A, %swap3A_253] : memref<16x8xf32, #tpu.memory_space<vmem>>, vector<16x8xf32>
    tpu.vector_store %arg2[%swap3A, %swap3A_253], %slice3A_252 {strides = array<i32>} : memref<16x8xf32, #tpu.memory_space<vmem>>, vector<16x8xf32>,
    %mul3A_255 = arith.mulf %mul3A_240, %div3A_251 : vector<16x128xf32>
    %slice3A_256 = vector.extract_strided_slice %mul3A_255 {offsets = [0, 0], sizes = [16, 8], strides = [1, 1]} : vector<16x128xf32> to vector<16x8xf32>
    %swap3A_257 = arith.constant 0 : index
    %swap3A_258 = arith.constant 0 : index
    %swap3A_259 = vector.load %arg3[%swap3A_257, %swap3A_258] : memref<16x8xf32, #tpu.memory_space<vmem>>, vector<16x8xf32>
    tpu.vector_store %arg3[%swap3A_257, %swap3A_258], %slice3A_256 {strides = array<i32>} : memref<16x8xf32, #tpu.memory_space<vmem>>, vector<16x8xf32>,
    return
  }
  func.func @transform_0(%arg0: i32) -> (i32, i32, i32) {
    %c0_i32 = arith.constant 0 : i32
    %c0_i32_0 = arith.constant 0 : i32
    %c0_i32_1 = arith.constant 0 : i32
    return %arg0, %c0_i32, %c0_i32_0 : i32, i32, i32
  }
  func.func @transform_1(%arg0: i32) -> (i32, i32) {
    %c0_i32 = arith.constant 0 : i32
    %c0_i32_0 = arith.constant 0 : i32
    return %arg0, %c0_i32 : i32, i32
  }
  func.func @transform_2(%arg0: i32) -> (i32, i32) {
    %c0_i32 = arith.constant 0 : i32
    %c0_i32_0 = arith.constant 0 : i32
    return %arg0, %c0_i32 : i32, i32
  }
}

module attributes {stable_mosaic.version = 14 : i64} {
  func.func @_embed_body(%arg0: i32, %arg1: i32, %arg2: memref<1x512x8xf32, #tpu.memory_space<vmem>>, %arg3: memref<1x512x8xf32, #tpu.memory_space<vmem>>, %arg4: memref<1x1x8xf32, #tpu.memory_space<vmem>>, %arg5: memref<1x1x8xf32, #tpu.memory_space<vmem>>, %arg6: memref<16x288xf32, #tpu.memory_space<vmem>>, %arg7: memref<1x288xf32, #tpu.memory_space<vmem>>, %arg8: memref<1x512x288xf32, #tpu.memory_space<vmem>>) attributes {dimension_semantics = [#tpu.dimension_semantics<parallel>, #tpu.dimension_semantics<parallel>], iteration_bounds = array<i64: 64, 4>, scalar_prefetch = 0 : i64, scratch_operands = 0 : i64, tpu.core_type = #tpu.core_type<tc>, window_params = [{transform_indices = @transform_0, window_bounds = array<i64: 1, 512, 8>}, {transform_indices = @transform_1, window_bounds = array<i64: 1, 512, 8>}, {transform_indices = @transform_2, window_bounds = array<i64: 1, 1, 8>}, {transform_indices = @transform_3, window_bounds = array<i64: 1, 1, 8>}, {pipeline_mode = #tpu.pipeline_mode<synchronous>, transform_indices = @transform_4, window_bounds = array<i64: 16, 288>}, {pipeline_mode = #tpu.pipeline_mode<synchronous>, transform_indices = @transform_5, window_bounds = array<i64: 1, 288>}, {transform_indices = @transform_6, window_bounds = array<i64: 1, 512, 288>}]} {
    %get3A = arith.constant 0 : index
    %get3A_0 = arith.constant 0 : index
    %get3A_1 = arith.constant 0 : index
    %get3A_2 = vector.load %arg2[%get3A, %get3A_0, %get3A_1] : memref<1x512x8xf32, #tpu.memory_space<vmem>>, vector<1x512x8xf32>
    %get3A_3 = vector.shape_cast %get3A_2 : vector<1x512x8xf32> to vector<512x8xf32>
    %get3A_4 = arith.constant 0 : index
    %get3A_5 = arith.constant 0 : index
    %get3A_6 = arith.constant 0 : index
    %get3A_7 = vector.load %arg3[%get3A_4, %get3A_5, %get3A_6] : memref<1x512x8xf32, #tpu.memory_space<vmem>>, vector<1x512x8xf32>
    %get3A_8 = vector.shape_cast %get3A_7 : vector<1x512x8xf32> to vector<512x8xf32>
    %get3A_9 = arith.constant 0 : index
    %get3A_10 = arith.constant 0 : index
    %get3A_11 = arith.constant 0 : index
    %get3A_12 = vector.load %arg4[%get3A_9, %get3A_10, %get3A_11] : memref<1x1x8xf32, #tpu.memory_space<vmem>>, vector<1x1x8xf32>
    %get3A_13 = vector.shape_cast %get3A_12 : vector<1x1x8xf32> to vector<1x8xf32>
    %get3A_14 = arith.constant 0 : index
    %get3A_15 = arith.constant 0 : index
    %get3A_16 = arith.constant 0 : index
    %get3A_17 = vector.load %arg5[%get3A_14, %get3A_15, %get3A_16] : memref<1x1x8xf32, #tpu.memory_space<vmem>>, vector<1x1x8xf32>
    %get3A_18 = vector.shape_cast %get3A_17 : vector<1x1x8xf32> to vector<1x8xf32>
    %mul3A = vector.broadcast %get3A_13 : vector<1x8xf32> to vector<512x8xf32>
    %mul3A_19 = arith.mulf %get3A_3, %mul3A : vector<512x8xf32>
    %sub3A = vector.broadcast %get3A_18 : vector<1x8xf32> to vector<512x8xf32>
    %sub3A_20 = arith.subf %mul3A_19, %sub3A : vector<512x8xf32>
    %concatenate3A = tpu.concatenate %sub3A_20, %get3A_8 in 1 : vector<512x8xf32>, vector<512x8xf32> -> vector<512x16xf32>
    %get3A_21 = arith.constant 0 : index
    %get3A_22 = arith.constant 0 : index
    %get3A_23 = vector.load %arg6[%get3A_21, %get3A_22] : memref<16x288xf32, #tpu.memory_space<vmem>>, vector<16x288xf32>
    %dot_general3A = arith.constant dense<0.000000e+00> : vector<512x288xf32>
    %dot_general3A_24 = tpu.matmul %concatenate3A, %get3A_23, %dot_general3A {dimension_numbers = #tpu.dot_dimension_numbers<[1], [0], [0], [1], [0, 0, 1, 1], [], []>, transpose_lhs_hint = false} : vector<512x16xf32>, vector<16x288xf32>, vector<512x288xf32> -> vector<512x288xf32>
    %get3A_25 = arith.constant 0 : index
    %get3A_26 = arith.constant 0 : index
    %get3A_27 = vector.load %arg7[%get3A_25, %get3A_26] : memref<1x288xf32, #tpu.memory_space<vmem>>, vector<1x288xf32>
    %add3A = vector.broadcast %get3A_27 : vector<1x288xf32> to vector<512x288xf32>
    %add3A_28 = arith.addf %dot_general3A_24, %add3A : vector<512x288xf32>
    %swap3A = arith.constant 0 : index
    %swap3A_29 = arith.constant 0 : index
    %swap3A_30 = arith.constant 0 : index
    %swap3A_31 = vector.load %arg8[%swap3A, %swap3A_29, %swap3A_30] : memref<1x512x288xf32, #tpu.memory_space<vmem>>, vector<1x512x288xf32>
    %swap3A_32 = vector.shape_cast %swap3A_31 : vector<1x512x288xf32> to vector<512x288xf32>
    %swap3A_33 = vector.shape_cast %add3A_28 : vector<512x288xf32> to vector<1x512x288xf32>
    tpu.vector_store %arg8[%swap3A, %swap3A_29, %swap3A_30], %swap3A_33 {strides = array<i32>} : memref<1x512x288xf32, #tpu.memory_space<vmem>>, vector<1x512x288xf32>,
    return
  }
  func.func @transform_0(%arg0: i32, %arg1: i32) -> (i32, i32, i32) {
    %c0_i32 = arith.constant 0 : i32
    %c0_i32_0 = arith.constant 0 : i32
    return %arg0, %arg1, %c0_i32 : i32, i32, i32
  }
  func.func @transform_1(%arg0: i32, %arg1: i32) -> (i32, i32, i32) {
    %c0_i32 = arith.constant 0 : i32
    %c0_i32_0 = arith.constant 0 : i32
    return %arg0, %arg1, %c0_i32 : i32, i32, i32
  }
  func.func @transform_2(%arg0: i32, %arg1: i32) -> (i32, i32, i32) {
    %c0_i32 = arith.constant 0 : i32
    %c0_i32_0 = arith.constant 0 : i32
    %c0_i32_1 = arith.constant 0 : i32
    return %arg0, %c0_i32, %c0_i32_0 : i32, i32, i32
  }
  func.func @transform_3(%arg0: i32, %arg1: i32) -> (i32, i32, i32) {
    %c0_i32 = arith.constant 0 : i32
    %c0_i32_0 = arith.constant 0 : i32
    %c0_i32_1 = arith.constant 0 : i32
    return %arg0, %c0_i32, %c0_i32_0 : i32, i32, i32
  }
  func.func @transform_4(%arg0: i32, %arg1: i32) -> (i32, i32) {
    %c0_i32 = arith.constant 0 : i32
    %c0_i32_0 = arith.constant 0 : i32
    %c0_i32_1 = arith.constant 0 : i32
    return %c0_i32, %c0_i32_0 : i32, i32
  }
  func.func @transform_5(%arg0: i32, %arg1: i32) -> (i32, i32) {
    %c0_i32 = arith.constant 0 : i32
    %c0_i32_0 = arith.constant 0 : i32
    %c0_i32_1 = arith.constant 0 : i32
    return %c0_i32, %c0_i32_0 : i32, i32
  }
  func.func @transform_6(%arg0: i32, %arg1: i32) -> (i32, i32, i32) {
    %c0_i32 = arith.constant 0 : i32
    %c0_i32_0 = arith.constant 0 : i32
    return %arg0, %arg1, %c0_i32 : i32, i32, i32
  }
}

</mosaic_0001>

<sc_bundles>
// kernel: sparse-core-data-format-call.cloned.1.call-start
scs
called_computation_lowered:
.L_overlay_start_0:
0x0: {  	s2 =	sld [smem:$0x3FD9]  }
0x1: {  	s3 =	sld [smem:$0x3FFE];
	_ =	sdelay $0x1  }
0x2: {  	s1 =	srdreg.scid  }
0x3: {  	s0 =	sand.u32 $0x1, s1  }
0x4: {  	s18 =	sshll.u32 s0, $0xA;
	s2 =	sadd.s32 s3, s2  }
0x5: {  	s2 =	sadd.s32 s2, s18  }
0x6: {  	[smem:$0x3FC2] =	sst s2  }
0x7: {  	_ = 	snop  }
0x8: {  	s2 =	sld [smem:$0x3FD0];
	(tm) =	ssettm $0x1  }
0x9: {  	s19 =	sld [smem:$0x3FFB];
	_ =	sdelay $0x3  }
0xa: {  	_ =	strace s19  }
0xb: {  	s3 =	sld [smem:$0x3FFC];
	_ =	sdelay $0x3  }
0xc: {  	_ =	strace s3  }
0xd: {  	s3 =	sld [smem:$0x3FFD];
	_ =	sdelay $0x3  }
0xe: {  	_ =	strace s3  }
0xf: {  	_ =	strace $0x8FFFFFFF  }
0x10: {  	s20 =	sld [smem:$0x3FDB];
	_ =	sdelay $0x1  }
0x11: {  	s4 =	simm.s32 $_scs_section_size  }
0x12: {  	s5 =	simm.s32 $_size__tile_overlayer_lowered;
	s6 =	simm.s32 $_tile_overlayer_lowered  }
0x13: {  	s23 =	simm.s32 $0x1BFF;
	s22 =	sshll.u32 s6, $0x1;
	s3 =	sadd.s32 s4, s20  }
0x14: {  	s7 =	simm.s32 $0x0;
	s21 =	sshll.u32 s5, $0x1;
	s5 =	sadd.s32 s22, s3  }
0x15: {  	[timem:s7], [sflag:s23] =	dma.local [hbm:s5], s21  }
0x16: {  	_ =	swait.ge [sflag:s23], s21  }
0x17: {  	s4 =	ssub.s32 $0x0, s21;
	[sflag:s23] =	ssyncset.done $0x0  }
0x18: {  	[sflag:s23] =	ssyncadd.s32 s4;
	_ =	sdelay $0x1  }
0x19: {  	s24 =	simm.s32 $0x1B8B  }
0x1a: {  	_ =	swait.ge [sflag:s24], $0x1  }
0x1b: {  	[sflag:s24] =	ssyncset.done $0x0  }
0x1c: {  	s26 =	simm.s32 $0x1B8E;
	s25 =	sld [smem:$0x3FFE];
	[sflag:s24] =	ssyncadd.s32 $0xFFFFFFFF  }
0x1d: {  	s27 =	simm.s32 $execute0_lowered;
	[smem:$0x3FD2] =	sst s26  }
0x1e: {  	s5 =	sshll.u32 s27, $0x1;
	_ =	strace $0x80000046;
	[dreg:$0x1] =	wrdreg $0xFFFFFFFF  }
0x1f: {  	s28 =	simm.s32 $_size_execute0_lowered;
	s3 =	sadd.s32 s3, s5;
	[dreg:$0x0] =	wrdreg $0x0  }
0x20: {  	s5 =	sshll.u32 s28, $0x1;
	[dreg:$0x2] =	wrdreg s3  }
0x21: {  	[dreg:$0x3] =	wrdreg s5  }
0x22: {  	[dreg:$0x4] =	wrdreg $0xC0  }
0x23: {  	_ =	task [dreg:s7], $0x5FFFF  }
0x24: {  	[dreg:$0x1] =	wrdreg $0xFFFFFFFF  }
0x25: {  	[dreg:$0x0] =	wrdreg $0x60  }
0x26: {  	[dreg:$0x2] =	wrdreg s25  }
0x27: {  	[dreg:$0x3] =	wrdreg s2  }
0x28: {  	[dreg:$0x4] =	wrdreg $0x9  }
0x29: {  	_ =	task.clear_ibuf [dreg:s7], $0x5FFFF;
	_ =	strace $0x90000046  }
0x2a: {  	s29 =	simm.s32 $0x9;
	_ =	strace $0x80000048  }
0x2b: {  	_ =	swait.ge [sflag:s29], $0x1  }
0x2c: {  	[sflag:s29] =	ssyncadd.s32 $0xFFFFFFFF  }
0x2d: {  	_ =	strace $0x90000048  }
0x2e: {  	_ =	sfence  }
0x2f: {  	s30 =	sld [smem:$0x0];
	_ =	sdelay $0x2  }
0x30: {  	s31 =	sshll.u32 s1, $0xD;
	s1 =	sshrl.u32 s1, $0x2  }
0x31: {  	s3 =	sand.u32 $0x4000, s31;
	s1 =	sadd.s32 s1, s30  }
0x32: {  	s0 =	sor.u32 s3, s0;
	s1 =	sshll.u32 s1, $0x11  }
0x33: {  	s0 =	sor.u32 s1, s0  }
0x34: {  	s0 =	sadd.s32 $0x8F2B, s0  }
0x35: {  	[sflag:s0] =	ssyncadd.remote.s32 $0x1  }
0x36: {  	_ =	sfence.sel $0xFFFF  }
0x37: {  	[dreg:$0x0] =	wrdreg $0xFFFFFFFF;
	(pc) =	sbr.abs _section_cstart, $3  }
0x38: {  	[dreg:$0x1] =	wrdreg $0xFFFFFFFF  }
0x39: {  	_ =	task.clear_ibuf [dreg:s7], $0x2FFFF;
	_ =	strace $0x9FFFFFFF  }
0x3a: {  	(tm) =	ssettm $0x7FFFFFFF  }
0x3b: {  	_ =	shalt  }
tec
execute0_lowered:
.L_overlay_start_1:
0x0: {  	(tag) =	ssettag $0x1  }
0x1: {  	s2 =	stileid.u32  }
0x2: {  	s0 =	srdreg.scid;
	s7 =	rddreg [dreg:$0x0];
	s31 =	simm.s32 $0x2  }
0x3: {  	s1 =	sshll.u32 s2, $0x3;
	s2 =	sshll.u32 s2, $0x5;
	s0 =	sshll.u32 s0, $0x9  }
0x4: {  	s16 =	simm.s32 $0x0;
	s1 =	sand.u32 $0x38, s1;
	s0 =	sor.u32 s2, s0  }
0x5: {  	s9 =	simm.s32 $0x90000;
	s2 =	sand.u32 $0x300, s0;
	s29 =	ssub.s32 $0x40, s1  }
0x6: {  	s10 =	simm.s32 $0x0;
	s3 =	sand.u32 $0x38, s29;
	s4 =	ssub.s32 $0x800, s2  }
0x7: {  	p0 =	sne.s32 s3, $0x0;
	s3 =	simm.s32 $0x1;
	s5 =	sand.u32 $0x300, s4  }
0x8: {  	s3 =	simm.s32 @!p0 $0x0;
	p0 =	sne.s32 s5, $0x0;
	s5 =	simm.s32 $0x1  }
0x9: {  	s0 =	sshrl.u32 s29, $0x6;
	s4 =	sshrl.u32 s4, $0xA;
	s5 =	simm.s32 @!p0 $0x0  }
0xa: {  	s17 =	simm.s32 $0x0;
	s0 =	sadd.s32 s3, s0;
	s30 =	sadd.s32 s5, s4  }
0xb: {  	s18 =	simm.s32 $0x0;
	s19 =	simm.s32 $0x0;
	s0 =	smul.u32 s30, s0  }
.Ltmp0:
0xc: {  	s13 =	simm.s32 $0x0;
	s14 =	simm.s32 $0x0;
	(pc) =	sbr.rel .LBB1_1-.Ltmp0, $4  }
0xd: {  	s15 =	simm.s32 $0x0;
	s25 =	simm.s32 $0x0;
	s4 =	rddreg [dreg:$0x1]  }
0xe: {  	_ =	strace $0x80000047;
	s5 =	simm.s32 $0x1;
	s6 =	smul.u32 $0x24, s0  }
0xf: {  	s7 =	sadd.s32 $0x801000, s7;
	s12 =	smov.u32 s1;
	[sflag:s5] =	ssyncpa.u1 $0x0  }
0x10: {  	s11 =	smov.u32 s2;
	[sflag:s31] =	ssyncpa.u1 $0x0;
	s8 =	sor.u32 $0x1, s6  }
.LBB1_7:
0x11: {  	s0 =	sadd.s32 $0x400, s11  }
0x12: {  	s3 =	sadd.s32 $0x40, s12;
	s20 =	smov.u32 s12;
	p1 =	sgt.s32 s0, $0x7FF  }
0x13: {  	s20 =	smov.u32 @p1 s3  }
0x14: {  	s3 =	simm.s32 $0x1;
	p2 =	sgt.s32 s20, $0x3F  }
0x15: {  	s3 =	simm.s32 @!p2 $0x0  }
0x16: {  	s3 =	sadd.s32 s3, s13  }
0x17: {  	s16 =	sadd.s32 $0x8, s14;
	s21 =	smov.u32 s14;
	p3 =	sgt.s32 s3, $0x23  }
0x18: {  	p0 =	slt.u32 s15, $0x2;
	s21 =	smov.u32 @p3 s16  }
0x19: {  	s17 =	smov.u32 s12;
	s0 =	smov.u32 @p1 s2;
	p1 =	sgt.s32 s21, $0x7  }
0x1a: {  	s22 =	simm.s32 @!p0 $0x2;
	s21 =	simm.s32 @p1 $0x0;
	p1 =	sne.s32 s15, s8  }
.Ltmp1:
0x1b: {  	s18 =	smov.u32 s13;
	_ =	swait.ge @!p0 [sflag:s22], $0x4000;
	(pc) =	sbr.rel @!p1 .LBB1_8-.Ltmp1, $4  }
0x1c: {  	s19 =	smov.u32 s14;
	[sflag:s22] =	ssyncset.done @!p0 $0x0;
	s20 =	smov.u32 @p2 s1  }
0x1d: {  	s10 =	sadd.s32 $0x4000, s10;
	[sflag:s22] =	ssyncadd.s32 @!p0 $0xFFFFC000;
	s12 =	smov.u32 s20  }
0x1e: {  	s3 =	simm.s32 @p3 $0x0;
	s16 =	smov.u32 s11;
	s11 =	smov.u32 s0  }
0x1f: {  	s13 =	smov.u32 s3;
	s15 =	sadd.s32 $0x1, s15;
	s14 =	smov.u32 s21  }
.LBB1_1:
0x20: {  	p0 =	sge.u32 s15, s6  }
0x21: {  	s31 =	sadd.s32 $0xFFFFFFFF, s15;
	s0 =	sxor.u32 @!p0 $0xFFFFFFFF, s15;
	s3 =	sand.u32 @!p0 $0x78, s11  }
0x22: {  	s20 =	sshll.u32 @!p0 s12, $0xB;
	s21 =	sshll.u32 @!p0 s12, $0x7;
	s22 =	sshll.u32 @!p0 s11, $0x3  }
0x23: {  	s0 =	sshll.u32 @!p0 s0, $0xE;
	s20 =	sand.u32 @!p0 $0x1C000, s20;
	s21 =	sand.u32 @!p0 $0x380, s21  }
0x24: {  	s23 =	sand.u32 @!p0 $0x400, s22;
	s3 =	sor.u32 @!p0 s21, s3;
	s21 =	smul.u32 @!p0 $0x90000, s14  }
0x25: {  	s20 =	sadd.s32 @!p0 s20, s22;
	s0 =	sand.u32 @!p0 $0x4000, s0;
	s22 =	sshll.u32 @!p0 s13, $0xE  }
0x26: {  	s3 =	sor.u32 @!p0 s23, s3;
	s20 =	sshrl.u32 @!p0 s20, $0x3;
	s21 =	sadd.s32 @!p0 s7, s21  }
0x27: {  	s20 =	sand.u32 @!p0 $0x3F00, s20;
	s21 =	sadd.s32 @!p0 s22, s21;
	s22 =	sand.u32 @!p0 $0x7, s11  }
0x28: {  	s3 =	sshrl.u32 @!p0 s3, $0x3;
	s20 =	sadd.s32 @!p0 s20, s21;
	s21 =	sshll.u32 @!p0 s22, $0x12  }
0x29: {  	s3 =	sadd.s32 @!p0 s3, s20;
	s20 =	sor.u32 @!p0 $0x800, s21;
	s21 =	simm.s32 @!p0 $0x480000  }
0x2a: {  	[tilespmem:s0], [sflag:$0x1] =	stream.strided.gather @!p0 [hbm4b:s3+s20], $0x4000, s21, s20, $0x38;
	[tilespmem:$0x10000] =	vst v63  }
0x2b: {  	p0 =	sge.u32 s31, s6  }
.Ltmp2:
0x2c: {  	_ = 	snop;
	(pc) =	sbr.rel @p0 .LBB1_7-.Ltmp2, $1  }
0x2d: {  	_ =	sdelay $0x3  }
0x2e: {  	s0 =	sshll.u32 s10, $0x2;
	_ =	swait.ge [sflag:s5], $0x4000;
	s3 =	sshll.u32 s15, $0xE  }
0x2f: {  	p0 =	por $0x0, $0x0;
	s26 =	simm.s32 $0x0;
	s27 =	simm.s32 $0x0  }
0x30: {  	s0 =	sand.u32 $0x10000, s0;
	[sflag:s5] =	ssyncset.done $0x0;
	s23 =	sand.u32 $0x4000, s3  }
0x31: {  	s0 =	sshrl.u32 s0, $0x2;
	[sflag:s5] =	ssyncadd.s32 $0xFFFFC000;
	s20 =	sor.u32 $0x8000, s23  }
0x32: {  	s21 =	sor.u32 $0x40, s0;
	s22 =	sor.u32 $0x8410, s0;
	s24 =	sadd.s32 $0x8400, s0  }
.LBB1_3:
0x33: {  	v1 =	vld [tilespmem:s21+$0xFFFFFFD0]  }
0x34: {  	v2 =	vld [tilespmem:s21+$0x430]  }
0x35: {  	s0 =	sshll.u32 s27, $0xB;
	v4 =	vld [tilespmem:s21+$0xFFFFFFE0]  }
0x36: {  	v7 =	vld [tilespmem:s21+$0xFFFFFFF0];
	v0 =	vmov s0  }
0x37: {  	v8 =	vld [tilespmem:s21+$0x0]  }
0x38: {  	v9 =	vld [tilespmem:s21+$0x10];
	s0 =	sand.u32 $0x300, s25  }
0x39: {  	s3 =	sand.u32 $0x80, s25;
	v10 =	vld [tilespmem:s21+$0x20];
	s0 =	sadd.s32 s0, s23  }
0x3a: {  	v11 =	vld [tilespmem:s21+$0x30];
	s0 =	sadd.s32 s3, s0;
	s3 =	simm.s32 $0x1;
	[tilespmem:s22+$0x60] =	vst v2  }
0x3b: {  	s3 =	simm.s32 @!p0 $0x0;
	[tilespmem:s22+$0xFFFFFC00] =	vst v1;
	v3 =	vld.idx.msk [tilespmem:v0+s0+$0x400 ss:$0x1], $0xffff;
	s0 =	sshll.u32 s26, $0x2  }
0x3c: {  	v6 =	vld [tilespmem:s21+$0x3D0];
	s3 =	sshll.u32 s3, $0x9;
	[tilespmem:s22+$0xFFFFFC10] =	vst v4;
	s0 =	sand.u32 $0xFFFFFC00, s0  }
0x3d: {  	v5 =	vld [tilespmem:s21+$0x3E0];
	[tilespmem:s22+$0xFFFFFC20] =	vst v7;
	s0 =	sor.u32 s3, s0  }
0x3e: {  	[tilespmem:s22+$0xFFFFFC30] =	vst v8;
	v4 =	vld [tilespmem:s21+$0x400];
	s0 =	sshrl.u32 s0, $0x2  }
0x3f: {  	[tilespmem:s22+$0xFFFFFC40] =	vst v9;
	v1 =	vld [tilespmem:s21+$0x410];
	s28 =	sadd.s32 s0, s24  }
0x40: {  	[tilespmem:s28+$0x0] =	vst v3;
	v3 =	vld [tilespmem:s21+$0x3F0]  }
0x41: {  	s31 =	simm.s32 $0x100;
	[tilespmem:s22+$0xFFFFFC50] =	vst v10;
	v2 =	vld [tilespmem:s21+$0x420];
	s3 =	simm.s32 $0x80  }
0x42: {  	s29 =	sadd.s32 $0x80, s21;
	s30 =	smov.u32 s22;
	v7 =	vld [tilespmem:s21+$0xFFFFFFC0];
	[tilespmem:s22+$0xFFFFFC60] =	vst v11;
	s0 =	sand.u32 $0x300, s3  }
.LBB1_4:
0x43: {  	p1 =	sne.s32 s31, $0x380;
	v8 =	vld [tilespmem:s29+$0xFFFFFFD0];
	s3 =	sand.u32 $0x80, s3;
	s0 =	sadd.s32 s0, s23;
	[tilespmem:s30+$0x0] =	vst v6  }
0x44: {  	s0 =	sadd.s32 s3, s0;
	v6 =	vld [tilespmem:s29+$0x430];
	[tilespmem:s30+$0x10] =	vst v5;
	s3 =	smov.u32 s31  }
0x45: {  	v5 =	vld.idx.msk [tilespmem:v0+s0+$0x400 ss:$0x1], $0xffff;
	[tilespmem:s30+$0x20] =	vst v3  }
0x46: {  	v3 =	vld [tilespmem:s29+$0xFFFFFFE0];
	[tilespmem:s30+$0x30] =	vst v4  }
0x47: {  	v4 =	vld [tilespmem:s29+$0xFFFFFFF0];
	[tilespmem:s30+$0xFFFFFBF0] =	vst v7  }
0x48: {  	v7 =	vld [tilespmem:s29+$0x0];
	[tilespmem:s30+$0x40] =	vst v1  }
0x49: {  	v1 =	vld [tilespmem:s29+$0x10];
	[tilespmem:s30+$0x50] =	vst v2;
	s30 =	sadd.s32 $0x800, s30  }
0x4a: {  	s28 =	sadd.s32 $0x800, s28;
	v2 =	vld [tilespmem:s29+$0x20];
	[tilespmem:s30+$0x60] =	vst v6  }
0x4b: {  	v9 =	vld [tilespmem:s29+$0x30];
	[tilespmem:s28+$0x0] =	vst v5  }
0x4c: {  	[tilespmem:s30+$0xFFFFFC00] =	vst v8;
	v6 =	vld [tilespmem:s29+$0x3D0]  }
0x4d: {  	[tilespmem:s30+$0xFFFFFC10] =	vst v3;
	v5 =	vld [tilespmem:s29+$0x3E0]  }
.Ltmp3:
0x4e: {  	[tilespmem:s30+$0xFFFFFC20] =	vst v4;
	v3 =	vld [tilespmem:s29+$0x3F0];
	(pc) =	sbr.rel @p1 .LBB1_4-.Ltmp3, $4  }
0x4f: {  	[tilespmem:s30+$0xFFFFFC30] =	vst v7;
	v4 =	vld [tilespmem:s29+$0x400]  }
0x50: {  	[tilespmem:s30+$0xFFFFFC40] =	vst v1;
	v1 =	vld [tilespmem:s29+$0x410]  }
0x51: {  	[tilespmem:s30+$0xFFFFFC50] =	vst v2;
	v2 =	vld [tilespmem:s29+$0x420]  }
0x52: {  	s31 =	sadd.s32 $0x80, s31;
	s0 =	sand.u32 $0x300, s3;
	v7 =	vld [tilespmem:s29+$0xFFFFFFC0];
	[tilespmem:s30+$0xFFFFFC60] =	vst v9;
	s29 =	sadd.s32 $0x80, s29  }
0x53: {  	[tilespmem:s30+$0x0] =	vst v6  }
0x54: {  	[tilespmem:s30+$0x10] =	vst v5  }
0x55: {  	v49 =	vld [tilespmem:s29+$0x430];
	[tilespmem:s30+$0x20] =	vst v3  }
0x56: {  	v50 =	vld [tilespmem:s29+$0xFFFFFFD0];
	[tilespmem:s30+$0x30] =	vst v4  }
0x57: {  	v51 =	vld [tilespmem:s29+$0xFFFFFFE0];
	[tilespmem:s30+$0x40] =	vst v1  }
0x58: {  	v52 =	vld [tilespmem:s29+$0xFFFFFFF0];
	[tilespmem:s30+$0x50] =	vst v2  }
0x59: {  	v53 =	vld [tilespmem:s29+$0x0];
	[tilespmem:s30+$0xFFFFFBF0] =	vst v7;
	s30 =	sadd.s32 $0x800, s30  }
0x5a: {  	v54 =	vld [tilespmem:s29+$0x10];
	[tilespmem:s30+$0x60] =	vst v49  }
0x5b: {  	v55 =	vld [tilespmem:s29+$0x20];
	[tilespmem:s30+$0xFFFFFC00] =	vst v50  }
0x5c: {  	v56 =	vld [tilespmem:s29+$0x30];
	[tilespmem:s30+$0xFFFFFC10] =	vst v51  }
0x5d: {  	v57 =	vld [tilespmem:s29+$0x3D0];
	[tilespmem:s30+$0xFFFFFC20] =	vst v52  }
0x5e: {  	v58 =	vld [tilespmem:s29+$0x3E0];
	[tilespmem:s30+$0xFFFFFC30] =	vst v53  }
0x5f: {  	v59 =	vld [tilespmem:s29+$0x3F0];
	[tilespmem:s30+$0xFFFFFC40] =	vst v54  }
0x60: {  	v60 =	vld [tilespmem:s29+$0x400];
	[tilespmem:s30+$0xFFFFFC50] =	vst v55  }
0x61: {  	v61 =	vld [tilespmem:s29+$0xFFFFFFC0];
	[tilespmem:s30+$0xFFFFFC60] =	vst v56  }
0x62: {  	s3 =	sand.u32 $0x80, s3;
	s0 =	sadd.s32 s0, s23;
	v62 =	vld [tilespmem:s29+$0x410];
	[tilespmem:s30+$0x0] =	vst v57  }
0x63: {  	v63 =	vld [tilespmem:s29+$0x420];
	s27 =	sadd.s32 $0x1, s27;
	s0 =	sadd.s32 s3, s0;
	[tilespmem:s30+$0x10] =	vst v58  }
0x64: {  	p1 =	sne.s32 s27, $0x8;
	v0 =	vld.idx.msk [tilespmem:v0+s0+$0x400 ss:$0x1], $0xffff;
	[tilespmem:s30+$0x20] =	vst v59  }
.Ltmp4:
0x65: {  	[tilespmem:s30+$0x30] =	vst v60;
	(pc) =	sbr.rel @p1 .LBB1_3-.Ltmp4, $4  }
0x66: {  	[tilespmem:s30+$0xFFFFFBF0] =	vst v61  }
0x67: {  	[tilespmem:s30+$0x40] =	vst v62  }
0x68: {  	s31 =	sadd.s32 $0x800, s28;
	s21 =	sadd.s32 $0x800, s21;
	[tilespmem:s30+$0x50] =	vst v63  }
0x69: {  	s26 =	sadd.s32 $0x80, s26;
	p0 =	por !p0, !p0;
	s22 =	sadd.s32 $0x80, s22;
	[tilespmem:s31+$0x0] =	vst v0  }
0x6a: {  	s0 =	sshll.u32 s16, $0x3;
	s3 =	sshll.u32 s19, $0x7  }
0x6b: {  	s27 =	sand.u32 $0x78, s16;
	s17 =	smul.u32 $0x12000, s17;
	s18 =	sshll.u32 s18, $0xB  }
0x6c: {  	s29 =	sand.u32 $0x700, s16;
	s3 =	sand.u32 $0x380, s3;
	s0 =	sand.u32 $0x400, s0  }
.Ltmp5:
0x6d: {  	s28 =	sadd.s32 s4, s18;
	s3 =	sor.u32 s3, s27;
	(pc) =	sbr.rel .LBB1_7-.Ltmp5, $4  }
0x6e: {  	s30 =	sand.u32 $0x7, s16;
	s0 =	sor.u32 s0, s3;
	s3 =	sadd.s32 s17, s28  }
0x6f: {  	s16 =	sshll.u32 s30, $0x12;
	s0 =	sshrl.u32 s0, $0x3;
	s3 =	sadd.s32 s29, s3  }
0x70: {  	s31 =	sor.u32 $0x800, s16;
	s0 =	sadd.s32 s0, s3  }
0x71: {  	[hbm4b:s0+s31] =	stream.strided.scatter [tilespmem:s20], [sflag:$0x2], $0x4000, s9, s31, $0x38;
	[tilespmem:$0x10000] =	vst v63  }
.LBB1_8:
0x72: {  	_ =	sfence.sel $0x180000  }
0x73: {  	s0 =	simm.s32 $0x1;
	[bflag:$0x0] =	sbarrier.arrive $0xFFFF  }
0x74: {  	s30 =	simm.s32 $0x2;
	[sflag:s0] =	ssyncpa.u1 $0x1  }
0x75: {  	[sflag:s30] =	ssyncpa.u1 $0x1  }
0x76: {  	_ =	strace $0x90000047  }
0x77: {  	s31 =	stileid.u32;
	[bflag:$0x2] =	sbarrier.arrive $0xFFFF  }
0x78: {  	p0 =	sne.s32 s31, $0x0;
	s0 =	rddreg [dreg:$0x2]  }
0x79: {  	s0 =	sadd.s32 @!p0 $0x100000, s0  }
0x7a: {  	[sflag:s0] =	ssyncadd.tile.s32 @!p0 $0x1;
	_ =	shalt  }
.Lfunc_end1:
_tile_overlayer_lowered:
.L_overlay_start_2:
0x7b: {  	(tag) =	ssettag $0x2  }
0x7c: {  	s0 =	rddreg [dreg:$0x0];
	s2 =	stileid.u32  }
0x7d: {  	s1 =	rddreg [dreg:$0x1];
	p0 =	sne.s32 s2, $0x0  }
0x7e: {  	s3 =	rddreg [dreg:$0x2];
	[bflag:$0x3] =	sbarrier.arrive $0xFFFF;
	s2 =	simm.s32 @!p0 $0x1C01  }
0x7f: {  	[timem:s3], [sflag:s2] =	dma.local @!p0 [hbm:s0], s1  }
0x80: {  	s0 =	simm.s32 @!p0 $0x1  }
0x81: {  	_ =	swait.ge @!p0 [sflag:s0], s1  }
0x82: {  	s1 =	ssub.s32 @!p0 $0x0, s1;
	[sflag:s0] =	ssyncset.done @!p0 $0x0  }
0x83: {  	[sflag:s0] =	ssyncadd.s32 @!p0 s1  }
0x84: {  	[bflag:$0x3] =	sbarrier.arrive $0xFFFF  }
0x85: {  	_ =	shalt  }

</sc_bundles>
